<compile_context>
chip_gen: v7x
topology: tpu7x:2x2x1
jax: 0.10.2.dev20260603
libtpu: 0.0.44.dev20260713+nightly
codegen_flags: <defaults>
</compile_context>

<pallas_src>
import functools

import jax
import jax.numpy as jnp
from jax import lax
from jax.experimental import pallas as pl
from jax.experimental.pallas import tpu as pltpu
from jax.experimental.pallas import tpu_sc as plsc

K = 8192
C = 32
T = 1024
KCH = 1024
NKCH = K // KCH


def _vq_codes_kernel(z_ref, cb_ref, codes_ref):
    zb = z_ref[0]
    z2 = jnp.sum(zb * zb, axis=0, keepdims=True)
    cbv = cb_ref[...]
    cn2_full = jnp.sum(cbv * cbv, axis=1, keepdims=True)
    kio = lax.broadcasted_iota(jnp.int32, (KCH, T), 0).astype(jnp.float32)
    best = jnp.full((1, T), jnp.inf, dtype=jnp.float32)
    bestidx = jnp.zeros((1, T), dtype=jnp.float32)
    for kc in range(NKCH):
        cbm2 = -2.0 * cb_ref[kc * KCH:(kc + 1) * KCH, :]
        t1 = z2 + cn2_full[kc * KCH:(kc + 1) * KCH, :]
        s = lax.dot_general(cbm2, zb, (((1,), (0,)), ((), ())),
                            preferred_element_type=jnp.float32)
        d = t1 + s
        cmin = jnp.min(d, axis=0, keepdims=True)
        carg = jnp.min(jnp.where(d == cmin, kio, float(K)), axis=0,
                       keepdims=True)
        upd = cmin < best
        best = jnp.where(upd, cmin, best)
        bestidx = jnp.where(upd, carg + float(kc * KCH), bestidx)
    codes_ref[0] = bestidx.astype(jnp.int32)


def _epilogue_kernel(q_ref, z_ref, out_ref, loss_ref):
    qt = jnp.transpose(q_ref[...], (0, 2, 1))
    zb = z_ref[...]
    diff = qt - zb
    out_ref[...] = zb + diff
    loss_ref[...] = jnp.sum(diff * diff)[None, None]


def _sc_info():
    try:
        info = plsc.get_sparse_core_info()
        return info.num_cores, info.num_subcores
    except Exception:
        return 2, 16


def kernel(z, codebook):
    B = z.shape[0]
    BT = B * T

    codes3 = pl.pallas_call(
        _vq_codes_kernel,
        grid=(B,),
        in_specs=[
            pl.BlockSpec((1, C, T), lambda b: (b, 0, 0)),
            pl.BlockSpec((K, C), lambda b: (0, 0)),
        ],
        out_specs=pl.BlockSpec((1, 1, T), lambda b: (b, 0, 0)),
        out_shape=jax.ShapeDtypeStruct((B, 1, T), jnp.int32),
        compiler_params=pltpu.CompilerParams(
            dimension_semantics=("parallel",)),
    )(z, codebook)
    codes = codes3.reshape(B, T)

    nc, ns = _sc_info()
    nw = nc * ns
    bpw = BT // nw

    @functools.partial(
        pl.kernel,
        mesh=plsc.VectorSubcoreMesh(core_axis_name="c", subcore_axis_name="s"),
        out_type=jax.ShapeDtypeStruct((BT, C), jnp.float32),
        scratch_types=[
            pltpu.VMEM((bpw,), jnp.int32),
            pltpu.VMEM((bpw, C), jnp.float32),
            pltpu.SemaphoreType.DMA,
        ],
        compiler_params=pltpu.CompilerParams(use_tc_tiling_on_sc=False),
    )
    def _sc_gather(cb_hbm, idx_hbm, out_hbm, idx_v, rows_v, sem):
        wid = lax.axis_index("s") * nc + lax.axis_index("c")
        base = wid * bpw
        pltpu.sync_copy(idx_hbm.at[pl.ds(base, bpw)], idx_v)
        pltpu.async_copy(cb_hbm.at[idx_v], rows_v, sem).wait()
        pltpu.sync_copy(rows_v, out_hbm.at[pl.ds(base, bpw)])

    qrows = _sc_gather(codebook, codes.reshape(BT))

    quant, loss_sum = pl.pallas_call(
        _epilogue_kernel,
        grid=(1,),
        in_specs=[
            pl.BlockSpec((B, T, C), lambda i: (0, 0, 0)),
            pl.BlockSpec((B, C, T), lambda i: (0, 0, 0)),
        ],
        out_specs=[
            pl.BlockSpec((B, C, T), lambda i: (0, 0, 0)),
            pl.BlockSpec((1, 1), lambda i: (0, 0)),
        ],
        out_shape=[
            jax.ShapeDtypeStruct((B, C, T), jnp.float32),
            jax.ShapeDtypeStruct((1, 1), jnp.float32),
        ],
    )(qrows.reshape(B, T, C), z)

    commit_loss = loss_sum[0, 0] / (B * C * T)
    return codes, quant, commit_loss

# --- scband reference (transcript-rebuilt; emitter-appended) ---
"""Pipeline reference for scband-vector-quantizer-14989435863664 (READ-ONLY COPY).

The authoritative reference and input builder live on the scoring server;
editing this copy changes nothing except your own understanding.
"""

import jax, jax.numpy as jnp
import numpy as np

CODEBOOK_SIZE = 8192
CODEBOOK_DIM = 32

def setup_inputs(seed: int = 0) -> dict:
    key = jax.random.key(seed)
    k1, k2 = jax.random.split(key)
    z = jax.random.normal(k1, (16, CODEBOOK_DIM, 1024), dtype=jnp.float32)
    bound = 1.0 / CODEBOOK_SIZE
    codebook = jax.random.uniform(k2, (CODEBOOK_SIZE, CODEBOOK_DIM), dtype=jnp.float32, minval=-bound, maxval=bound)
    return {"z": z, "codebook": codebook}

def reference(z, codebook):
    # z: [B, C, T] -> z_t: [B, T, C]
    z_t = jnp.transpose(z, (0, 2, 1))
    d = (jnp.sum(z_t ** 2, axis=-1, keepdims=True)
         + jnp.sum(codebook ** 2, axis=-1)
         - 2.0 * (z_t @ codebook.T))
    codes = jnp.argmin(d, axis=-1)  # [B, T]
    quantized = jnp.transpose(jnp.take(codebook, codes, axis=0), (0, 2, 1))  # [B, C, T]
    quantized_st = z + jax.lax.stop_gradient(quantized - z)
    commit_loss = jnp.mean((jax.lax.stop_gradient(quantized) - z) ** 2)
    return (codes, quantized_st, commit_loss)

if __name__ == "__main__":
    import jax
    _d = setup_inputs()
    print(jax.jit(kernel)(*tuple(_d.values())))

</pallas_src>

<mosaic_0001>
#map = affine_map<(d0, d1) -> (0, 0)>
#map1 = affine_map<(d0, d1) -> (0)>
module attributes {stable_mosaic.version = 14 : i64} {
  func.func @_sc_gather(%arg0: i32, %arg1: i32, %arg2: memref<8192x32xf32, #tpu.memory_space<hbm>>, %arg3: memref<16384xi32, #tpu.memory_space<hbm>>, %arg4: memref<16384x32xf32, #tpu.memory_space<hbm>>, %arg5: memref<512xi32, #tpu.memory_space<vmem>>, %arg6: memref<512x32xf32, #tpu.memory_space<vmem>>, %arg7: memref<!tpu.dma_semaphore, #tpu.memory_space<semaphore_mem>>) attributes {dimension_semantics = [#tpu.dimension_semantics<core_parallel>, #tpu.dimension_semantics<subcore_parallel>], iteration_bounds = array<i64: 2, 16>, scalar_prefetch = 0 : i64, scratch_operands = 3 : i64, tpu.core_type = #tpu.core_type<sc_vector_subcore>, window_params = [{transform_indices = #map}, {transform_indices = #map1}, {transform_indices = #map}]} {
    %mul3A = arith.constant 2 : i32
    %mul3A_0 = arith.muli %arg1, %mul3A : i32
    %add3A = arith.addi %mul3A_0, %arg0 : i32
    %mul3A_1 = arith.constant 512 : i32
    %mul3A_2 = arith.muli %add3A, %mul3A_1 : i32
    "tpu.region"() ({
      %run_scoped3A = tpu.sem_alloc : memref<!tpu.dma_semaphore, #tpu.memory_space<semaphore_mem>>
      %dma_start3A_7 = tpu.memref_slice %arg3[%mul3A_2] : memref<16384xi32, #tpu.memory_space<hbm>> -> memref<512xi32, #tpu.memory_space<hbm>>
      %dma_start3A_8 = tpu.memref_slice %arg3[%mul3A_2] : memref<16384xi32, #tpu.memory_space<hbm>> -> memref<512xi32, #tpu.memory_space<hbm>>
      tpu.enqueue_dma source(%dma_start3A_8 : memref<512xi32, #tpu.memory_space<hbm>>) target(%arg5 : memref<512xi32, #tpu.memory_space<vmem>>) target_semaphore(%run_scoped3A : memref<!tpu.dma_semaphore, #tpu.memory_space<semaphore_mem>>)
      %dma_wait3A_9 = tpu.memref_slice %arg3[%mul3A_2] : memref<16384xi32, #tpu.memory_space<hbm>> -> memref<512xi32, #tpu.memory_space<hbm>>
      %dma_wait3A_10 = tpu.memref_slice %arg3[%mul3A_2] : memref<16384xi32, #tpu.memory_space<hbm>> -> memref<512xi32, #tpu.memory_space<hbm>>
      tpu.wait_dma2 semaphore(%run_scoped3A : memref<!tpu.dma_semaphore, #tpu.memory_space<semaphore_mem>>) src(%dma_wait3A_10 : memref<512xi32, #tpu.memory_space<hbm>>) dst(%arg5 : memref<512xi32, #tpu.memory_space<vmem>>)
      tpu.yield
    }) : () -> ()
    %dma_start3A = arith.constant 0 : i32
    %dma_start3A_3 = arith.constant 0 : i32
    %dma_start3A_4 = tpu.memref_slice %arg2[%dma_start3A, %dma_start3A_3] : memref<8192x32xf32, #tpu.memory_space<hbm>> -> memref<8192x32xf32, #tpu.memory_space<hbm>>
    tpu.enqueue_indirect_dma source(%dma_start3A_4 : memref<8192x32xf32, #tpu.memory_space<hbm>>) target(%arg6 : memref<512x32xf32, #tpu.memory_space<vmem>>) offsets(%arg5 : memref<512xi32, #tpu.memory_space<vmem>>) semaphore(%arg7 : memref<!tpu.dma_semaphore, #tpu.memory_space<semaphore_mem>>)
    %dma_wait3A = arith.constant 0 : i32
    %dma_wait3A_5 = arith.constant 0 : i32
    %dma_wait3A_6 = tpu.memref_slice %arg2[%dma_wait3A, %dma_wait3A_5] : memref<8192x32xf32, #tpu.memory_space<hbm>> -> memref<8192x32xf32, #tpu.memory_space<hbm>>
    tpu.wait_indirect_dma semaphore(%arg7 : memref<!tpu.dma_semaphore, #tpu.memory_space<semaphore_mem>>) src(%dma_wait3A_6 : memref<8192x32xf32, #tpu.memory_space<hbm>>) dst(%arg6 : memref<512x32xf32, #tpu.memory_space<vmem>>)
    "tpu.region"() ({
      %run_scoped3A = tpu.sem_alloc : memref<!tpu.dma_semaphore, #tpu.memory_space<semaphore_mem>>
      %dma_start3A_7 = arith.constant 0 : i32
      %dma_start3A_8 = tpu.memref_slice %arg4[%mul3A_2, %dma_start3A_7] : memref<16384x32xf32, #tpu.memory_space<hbm>> -> memref<512x32xf32, #tpu.memory_space<hbm>>
      %dma_start3A_9 = arith.constant 0 : i32
      %dma_start3A_10 = tpu.memref_slice %arg4[%mul3A_2, %dma_start3A_9] : memref<16384x32xf32, #tpu.memory_space<hbm>> -> memref<512x32xf32, #tpu.memory_space<hbm>>
      tpu.enqueue_dma source(%arg6 : memref<512x32xf32, #tpu.memory_space<vmem>>) target(%dma_start3A_10 : memref<512x32xf32, #tpu.memory_space<hbm>>) target_semaphore(%run_scoped3A : memref<!tpu.dma_semaphore, #tpu.memory_space<semaphore_mem>>)
      %dma_wait3A_11 = arith.constant 0 : i32
      %dma_wait3A_12 = tpu.memref_slice %arg4[%mul3A_2, %dma_wait3A_11] : memref<16384x32xf32, #tpu.memory_space<hbm>> -> memref<512x32xf32, #tpu.memory_space<hbm>>
      %dma_wait3A_13 = arith.constant 0 : i32
      %dma_wait3A_14 = tpu.memref_slice %arg4[%mul3A_2, %dma_wait3A_13] : memref<16384x32xf32, #tpu.memory_space<hbm>> -> memref<512x32xf32, #tpu.memory_space<hbm>>
      tpu.wait_dma2 semaphore(%run_scoped3A : memref<!tpu.dma_semaphore, #tpu.memory_space<semaphore_mem>>) src(%arg6 : memref<512x32xf32, #tpu.memory_space<vmem>>) dst(%dma_wait3A_14 : memref<512x32xf32, #tpu.memory_space<hbm>>)
      tpu.yield
    }) : () -> ()
    return
  }
}

module attributes {stable_mosaic.version = 14 : i64} {
  func.func @_vq_codes_kernel(%arg0: i32, %arg1: memref<1x32x1024xf32, #tpu.memory_space<vmem>>, %arg2: memref<8192x32xf32, #tpu.memory_space<vmem>>, %arg3: memref<1x1x1024xi32, #tpu.memory_space<vmem>>) attributes {dimension_semantics = [#tpu.dimension_semantics<parallel>], iteration_bounds = array<i64: 16>, scalar_prefetch = 0 : i64, scratch_operands = 0 : i64, tpu.core_type = #tpu.core_type<tc>, window_params = [{transform_indices = @transform_0, window_bounds = array<i64: 1, 32, 1024>}, {pipeline_mode = #tpu.pipeline_mode<synchronous>, transform_indices = @transform_1, window_bounds = array<i64: 8192, 32>}, {transform_indices = @transform_2, window_bounds = array<i64: 1, 1, 1024>}]} {
    %get3A = arith.constant 0 : index
    %get3A_0 = arith.constant 0 : index
    %get3A_1 = arith.constant 0 : index
    %get3A_2 = vector.load %arg1[%get3A, %get3A_0, %get3A_1] : memref<1x32x1024xf32, #tpu.memory_space<vmem>>, vector<1x32x1024xf32>
    %get3A_3 = vector.shape_cast %get3A_2 : vector<1x32x1024xf32> to vector<32x1024xf32>
    %mul3A = arith.mulf %get3A_3, %get3A_3 : vector<32x1024xf32>
    %reduce_sum3A = arith.constant dense<0.000000e+00> : vector<1024xf32>
    %reduce_sum3A_4 = vector.multi_reduction <add>, %mul3A, %reduce_sum3A [0] : vector<32x1024xf32> to vector<1024xf32>
    %broadcast_in_dim3A = vector.shape_cast %reduce_sum3A_4 : vector<1024xf32> to vector<1x1024xf32>
    %get3A_5 = arith.constant 0 : index
    %get3A_6 = arith.constant 0 : index
    %get3A_7 = vector.load %arg2[%get3A_5, %get3A_6] : memref<8192x32xf32, #tpu.memory_space<vmem>>, vector<8192x32xf32>
    %mul3A_8 = arith.mulf %get3A_7, %get3A_7 : vector<8192x32xf32>
    %reduce_sum3A_9 = arith.constant dense<0.000000e+00> : vector<8192xf32>
    %reduce_sum3A_10 = vector.multi_reduction <add>, %mul3A_8, %reduce_sum3A_9 [1] : vector<8192x32xf32> to vector<8192xf32>
    %broadcast_in_dim3A_11 = vector.shape_cast %reduce_sum3A_10 : vector<8192xf32> to vector<8192x1xf32>
    %iota3A = tpu.iota {dimensions = array<i32: 0>} : vector<1024x1024xi32>
    %convert_element_type3A = arith.sitofp %iota3A : vector<1024x1024xi32> to vector<1024x1024xf32>
    %broadcast_in_dim3A_12 = arith.constant 0x7F800000 : f32
    %broadcast_in_dim3A_13 = vector.broadcast %broadcast_in_dim3A_12 : f32 to vector<1x1024xf32>
    %broadcast_in_dim3A_14 = arith.constant 0.000000e+00 : f32
    %broadcast_in_dim3A_15 = vector.broadcast %broadcast_in_dim3A_14 : f32 to vector<1x1024xf32>
    %get3A_16 = arith.constant 0 : index
    %get3A_17 = arith.constant 0 : index
    %get3A_18 = vector.load %arg2[%get3A_16, %get3A_17] : memref<8192x32xf32, #tpu.memory_space<vmem>>, vector<1024x32xf32>
    %mul3A_19 = arith.constant -2.000000e+00 : f32
    %mul3A_20 = vector.broadcast %mul3A_19 : f32 to vector<1024x32xf32>
    %mul3A_21 = arith.mulf %mul3A_20, %get3A_18 : vector<1024x32xf32>
    %slice3A = vector.extract_strided_slice %broadcast_in_dim3A_11 {offsets = [0, 0], sizes = [1024, 1], strides = [1, 1]} : vector<8192x1xf32> to vector<1024x1xf32>
    %add3A = vector.broadcast %broadcast_in_dim3A : vector<1x1024xf32> to vector<1024x1024xf32>
    %add3A_22 = vector.broadcast %slice3A : vector<1024x1xf32> to vector<1024x1024xf32>
    %add3A_23 = arith.addf %add3A, %add3A_22 : vector<1024x1024xf32>
    %dot_general3A = arith.constant dense<0.000000e+00> : vector<1024x1024xf32>
    %dot_general3A_24 = tpu.matmul %mul3A_21, %get3A_3, %dot_general3A {dimension_numbers = #tpu.dot_dimension_numbers<[1], [0], [0], [1], [0, 0, 1, 1], [], []>, transpose_lhs_hint = false} : vector<1024x32xf32>, vector<32x1024xf32>, vector<1024x1024xf32> -> vector<1024x1024xf32>
    %add3A_25 = arith.addf %add3A_23, %dot_general3A_24 : vector<1024x1024xf32>
    %reduce_min3A = arith.constant dense<0x7F800000> : vector<1024xf32>
    %reduce_min3A_26 = vector.multi_reduction <minimumf>, %add3A_25, %reduce_min3A [0] : vector<1024x1024xf32> to vector<1024xf32>
    %broadcast_in_dim3A_27 = vector.shape_cast %reduce_min3A_26 : vector<1024xf32> to vector<1x1024xf32>
    %eq3A = vector.broadcast %broadcast_in_dim3A_27 : vector<1x1024xf32> to vector<1024x1024xf32>
    %eq3A_28 = arith.cmpf oeq, %add3A_25, %eq3A : vector<1024x1024xf32>
    %jit3A = arith.constant 8.192000e+03 : f32
    %broadcast_in_dim3A_29 = vector.broadcast %jit3A : f32 to vector<1024x1024xf32>
    %select_n3A = arith.select %eq3A_28, %convert_element_type3A, %broadcast_in_dim3A_29 : vector<1024x1024xi1>, vector<1024x1024xf32>
    %reduce_min3A_30 = arith.constant dense<0x7F800000> : vector<1024xf32>
    %reduce_min3A_31 = vector.multi_reduction <minimumf>, %select_n3A, %reduce_min3A_30 [0] : vector<1024x1024xf32> to vector<1024xf32>
    %broadcast_in_dim3A_32 = vector.shape_cast %reduce_min3A_31 : vector<1024xf32> to vector<1x1024xf32>
    %lt3A = arith.cmpf olt, %broadcast_in_dim3A_27, %broadcast_in_dim3A_13 : vector<1x1024xf32>
    %select_n3A_33 = arith.select %lt3A, %broadcast_in_dim3A_27, %broadcast_in_dim3A_13 : vector<1x1024xi1>, vector<1x1024xf32>
    %add3A_34 = arith.constant 0.000000e+00 : f32
    %add3A_35 = vector.broadcast %add3A_34 : f32 to vector<1x1024xf32>
    %add3A_36 = arith.addf %broadcast_in_dim3A_32, %add3A_35 : vector<1x1024xf32>
    %select_n3A_37 = arith.select %lt3A, %add3A_36, %broadcast_in_dim3A_15 : vector<1x1024xi1>, vector<1x1024xf32>
    %get3A_38 = arith.constant 1024 : index
    %get3A_39 = arith.constant 0 : index
    %get3A_40 = vector.load %arg2[%get3A_38, %get3A_39] : memref<8192x32xf32, #tpu.memory_space<vmem>>, vector<1024x32xf32>
    %mul3A_41 = arith.constant -2.000000e+00 : f32
    %mul3A_42 = vector.broadcast %mul3A_41 : f32 to vector<1024x32xf32>
    %mul3A_43 = arith.mulf %mul3A_42, %get3A_40 : vector<1024x32xf32>
    %slice3A_44 = vector.extract_strided_slice %broadcast_in_dim3A_11 {offsets = [1024, 0], sizes = [1024, 1], strides = [1, 1]} : vector<8192x1xf32> to vector<1024x1xf32>
    %add3A_45 = vector.broadcast %broadcast_in_dim3A : vector<1x1024xf32> to vector<1024x1024xf32>
    %add3A_46 = vector.broadcast %slice3A_44 : vector<1024x1xf32> to vector<1024x1024xf32>
    %add3A_47 = arith.addf %add3A_45, %add3A_46 : vector<1024x1024xf32>
    %dot_general3A_48 = arith.constant dense<0.000000e+00> : vector<1024x1024xf32>
    %dot_general3A_49 = tpu.matmul %mul3A_43, %get3A_3, %dot_general3A_48 {dimension_numbers = #tpu.dot_dimension_numbers<[1], [0], [0], [1], [0, 0, 1, 1], [], []>, transpose_lhs_hint = false} : vector<1024x32xf32>, vector<32x1024xf32>, vector<1024x1024xf32> -> vector<1024x1024xf32>
    %add3A_50 = arith.addf %add3A_47, %dot_general3A_49 : vector<1024x1024xf32>
    %reduce_min3A_51 = arith.constant dense<0x7F800000> : vector<1024xf32>
    %reduce_min3A_52 = vector.multi_reduction <minimumf>, %add3A_50, %reduce_min3A_51 [0] : vector<1024x1024xf32> to vector<1024xf32>
    %broadcast_in_dim3A_53 = vector.shape_cast %reduce_min3A_52 : vector<1024xf32> to vector<1x1024xf32>
    %eq3A_54 = vector.broadcast %broadcast_in_dim3A_53 : vector<1x1024xf32> to vector<1024x1024xf32>
    %eq3A_55 = arith.cmpf oeq, %add3A_50, %eq3A_54 : vector<1024x1024xf32>
    %jit3A_56 = arith.constant 8.192000e+03 : f32
    %broadcast_in_dim3A_57 = vector.broadcast %jit3A_56 : f32 to vector<1024x1024xf32>
    %select_n3A_58 = arith.select %eq3A_55, %convert_element_type3A, %broadcast_in_dim3A_57 : vector<1024x1024xi1>, vector<1024x1024xf32>
    %reduce_min3A_59 = arith.constant dense<0x7F800000> : vector<1024xf32>
    %reduce_min3A_60 = vector.multi_reduction <minimumf>, %select_n3A_58, %reduce_min3A_59 [0] : vector<1024x1024xf32> to vector<1024xf32>
    %broadcast_in_dim3A_61 = vector.shape_cast %reduce_min3A_60 : vector<1024xf32> to vector<1x1024xf32>
    %lt3A_62 = arith.cmpf olt, %broadcast_in_dim3A_53, %select_n3A_33 : vector<1x1024xf32>
    %select_n3A_63 = arith.select %lt3A_62, %broadcast_in_dim3A_53, %select_n3A_33 : vector<1x1024xi1>, vector<1x1024xf32>
    %add3A_64 = arith.constant 1.024000e+03 : f32
    %add3A_65 = vector.broadcast %add3A_64 : f32 to vector<1x1024xf32>
    %add3A_66 = arith.addf %broadcast_in_dim3A_61, %add3A_65 : vector<1x1024xf32>
    %select_n3A_67 = arith.select %lt3A_62, %add3A_66, %select_n3A_37 : vector<1x1024xi1>, vector<1x1024xf32>
    %get3A_68 = arith.constant 2048 : index
    %get3A_69 = arith.constant 0 : index
    %get3A_70 = vector.load %arg2[%get3A_68, %get3A_69] : memref<8192x32xf32, #tpu.memory_space<vmem>>, vector<1024x32xf32>
    %mul3A_71 = arith.constant -2.000000e+00 : f32
    %mul3A_72 = vector.broadcast %mul3A_71 : f32 to vector<1024x32xf32>
    %mul3A_73 = arith.mulf %mul3A_72, %get3A_70 : vector<1024x32xf32>
    %slice3A_74 = vector.extract_strided_slice %broadcast_in_dim3A_11 {offsets = [2048, 0], sizes = [1024, 1], strides = [1, 1]} : vector<8192x1xf32> to vector<1024x1xf32>
    %add3A_75 = vector.broadcast %broadcast_in_dim3A : vector<1x1024xf32> to vector<1024x1024xf32>
    %add3A_76 = vector.broadcast %slice3A_74 : vector<1024x1xf32> to vector<1024x1024xf32>
    %add3A_77 = arith.addf %add3A_75, %add3A_76 : vector<1024x1024xf32>
    %dot_general3A_78 = arith.constant dense<0.000000e+00> : vector<1024x1024xf32>
    %dot_general3A_79 = tpu.matmul %mul3A_73, %get3A_3, %dot_general3A_78 {dimension_numbers = #tpu.dot_dimension_numbers<[1], [0], [0], [1], [0, 0, 1, 1], [], []>, transpose_lhs_hint = false} : vector<1024x32xf32>, vector<32x1024xf32>, vector<1024x1024xf32> -> vector<1024x1024xf32>
    %add3A_80 = arith.addf %add3A_77, %dot_general3A_79 : vector<1024x1024xf32>
    %reduce_min3A_81 = arith.constant dense<0x7F800000> : vector<1024xf32>
    %reduce_min3A_82 = vector.multi_reduction <minimumf>, %add3A_80, %reduce_min3A_81 [0] : vector<1024x1024xf32> to vector<1024xf32>
    %broadcast_in_dim3A_83 = vector.shape_cast %reduce_min3A_82 : vector<1024xf32> to vector<1x1024xf32>
    %eq3A_84 = vector.broadcast %broadcast_in_dim3A_83 : vector<1x1024xf32> to vector<1024x1024xf32>
    %eq3A_85 = arith.cmpf oeq, %add3A_80, %eq3A_84 : vector<1024x1024xf32>
    %jit3A_86 = arith.constant 8.192000e+03 : f32
    %broadcast_in_dim3A_87 = vector.broadcast %jit3A_86 : f32 to vector<1024x1024xf32>
    %select_n3A_88 = arith.select %eq3A_85, %convert_element_type3A, %broadcast_in_dim3A_87 : vector<1024x1024xi1>, vector<1024x1024xf32>
    %reduce_min3A_89 = arith.constant dense<0x7F800000> : vector<1024xf32>
    %reduce_min3A_90 = vector.multi_reduction <minimumf>, %select_n3A_88, %reduce_min3A_89 [0] : vector<1024x1024xf32> to vector<1024xf32>
    %broadcast_in_dim3A_91 = vector.shape_cast %reduce_min3A_90 : vector<1024xf32> to vector<1x1024xf32>
    %lt3A_92 = arith.cmpf olt, %broadcast_in_dim3A_83, %select_n3A_63 : vector<1x1024xf32>
    %select_n3A_93 = arith.select %lt3A_92, %broadcast_in_dim3A_83, %select_n3A_63 : vector<1x1024xi1>, vector<1x1024xf32>
    %add3A_94 = arith.constant 2.048000e+03 : f32
    %add3A_95 = vector.broadcast %add3A_94 : f32 to vector<1x1024xf32>
    %add3A_96 = arith.addf %broadcast_in_dim3A_91, %add3A_95 : vector<1x1024xf32>
    %select_n3A_97 = arith.select %lt3A_92, %add3A_96, %select_n3A_67 : vector<1x1024xi1>, vector<1x1024xf32>
    %get3A_98 = arith.constant 3072 : index
    %get3A_99 = arith.constant 0 : index
    %get3A_100 = vector.load %arg2[%get3A_98, %get3A_99] : memref<8192x32xf32, #tpu.memory_space<vmem>>, vector<1024x32xf32>
    %mul3A_101 = arith.constant -2.000000e+00 : f32
    %mul3A_102 = vector.broadcast %mul3A_101 : f32 to vector<1024x32xf32>
    %mul3A_103 = arith.mulf %mul3A_102, %get3A_100 : vector<1024x32xf32>
    %slice3A_104 = vector.extract_strided_slice %broadcast_in_dim3A_11 {offsets = [3072, 0], sizes = [1024, 1], strides = [1, 1]} : vector<8192x1xf32> to vector<1024x1xf32>
    %add3A_105 = vector.broadcast %broadcast_in_dim3A : vector<1x1024xf32> to vector<1024x1024xf32>
    %add3A_106 = vector.broadcast %slice3A_104 : vector<1024x1xf32> to vector<1024x1024xf32>
    %add3A_107 = arith.addf %add3A_105, %add3A_106 : vector<1024x1024xf32>
    %dot_general3A_108 = arith.constant dense<0.000000e+00> : vector<1024x1024xf32>
    %dot_general3A_109 = tpu.matmul %mul3A_103, %get3A_3, %dot_general3A_108 {dimension_numbers = #tpu.dot_dimension_numbers<[1], [0], [0], [1], [0, 0, 1, 1], [], []>, transpose_lhs_hint = false} : vector<1024x32xf32>, vector<32x1024xf32>, vector<1024x1024xf32> -> vector<1024x1024xf32>
    %add3A_110 = arith.addf %add3A_107, %dot_general3A_109 : vector<1024x1024xf32>
    %reduce_min3A_111 = arith.constant dense<0x7F800000> : vector<1024xf32>
    %reduce_min3A_112 = vector.multi_reduction <minimumf>, %add3A_110, %reduce_min3A_111 [0] : vector<1024x1024xf32> to vector<1024xf32>
    %broadcast_in_dim3A_113 = vector.shape_cast %reduce_min3A_112 : vector<1024xf32> to vector<1x1024xf32>
    %eq3A_114 = vector.broadcast %broadcast_in_dim3A_113 : vector<1x1024xf32> to vector<1024x1024xf32>
    %eq3A_115 = arith.cmpf oeq, %add3A_110, %eq3A_114 : vector<1024x1024xf32>
    %jit3A_116 = arith.constant 8.192000e+03 : f32
    %broadcast_in_dim3A_117 = vector.broadcast %jit3A_116 : f32 to vector<1024x1024xf32>
    %select_n3A_118 = arith.select %eq3A_115, %convert_element_type3A, %broadcast_in_dim3A_117 : vector<1024x1024xi1>, vector<1024x1024xf32>
    %reduce_min3A_119 = arith.constant dense<0x7F800000> : vector<1024xf32>
    %reduce_min3A_120 = vector.multi_reduction <minimumf>, %select_n3A_118, %reduce_min3A_119 [0] : vector<1024x1024xf32> to vector<1024xf32>
    %broadcast_in_dim3A_121 = vector.shape_cast %reduce_min3A_120 : vector<1024xf32> to vector<1x1024xf32>
    %lt3A_122 = arith.cmpf olt, %broadcast_in_dim3A_113, %select_n3A_93 : vector<1x1024xf32>
    %select_n3A_123 = arith.select %lt3A_122, %broadcast_in_dim3A_113, %select_n3A_93 : vector<1x1024xi1>, vector<1x1024xf32>
    %add3A_124 = arith.constant 3.072000e+03 : f32
    %add3A_125 = vector.broadcast %add3A_124 : f32 to vector<1x1024xf32>
    %add3A_126 = arith.addf %broadcast_in_dim3A_121, %add3A_125 : vector<1x1024xf32>
    %select_n3A_127 = arith.select %lt3A_122, %add3A_126, %select_n3A_97 : vector<1x1024xi1>, vector<1x1024xf32>
    %get3A_128 = arith.constant 4096 : index
    %get3A_129 = arith.constant 0 : index
    %get3A_130 = vector.load %arg2[%get3A_128, %get3A_129] : memref<8192x32xf32, #tpu.memory_space<vmem>>, vector<1024x32xf32>
    %mul3A_131 = arith.constant -2.000000e+00 : f32
    %mul3A_132 = vector.broadcast %mul3A_131 : f32 to vector<1024x32xf32>
    %mul3A_133 = arith.mulf %mul3A_132, %get3A_130 : vector<1024x32xf32>
    %slice3A_134 = vector.extract_strided_slice %broadcast_in_dim3A_11 {offsets = [4096, 0], sizes = [1024, 1], strides = [1, 1]} : vector<8192x1xf32> to vector<1024x1xf32>
    %add3A_135 = vector.broadcast %broadcast_in_dim3A : vector<1x1024xf32> to vector<1024x1024xf32>
    %add3A_136 = vector.broadcast %slice3A_134 : vector<1024x1xf32> to vector<1024x1024xf32>
    %add3A_137 = arith.addf %add3A_135, %add3A_136 : vector<1024x1024xf32>
    %dot_general3A_138 = arith.constant dense<0.000000e+00> : vector<1024x1024xf32>
    %dot_general3A_139 = tpu.matmul %mul3A_133, %get3A_3, %dot_general3A_138 {dimension_numbers = #tpu.dot_dimension_numbers<[1], [0], [0], [1], [0, 0, 1, 1], [], []>, transpose_lhs_hint = false} : vector<1024x32xf32>, vector<32x1024xf32>, vector<1024x1024xf32> -> vector<1024x1024xf32>
    %add3A_140 = arith.addf %add3A_137, %dot_general3A_139 : vector<1024x1024xf32>
    %reduce_min3A_141 = arith.constant dense<0x7F800000> : vector<1024xf32>
    %reduce_min3A_142 = vector.multi_reduction <minimumf>, %add3A_140, %reduce_min3A_141 [0] : vector<1024x1024xf32> to vector<1024xf32>
    %broadcast_in_dim3A_143 = vector.shape_cast %reduce_min3A_142 : vector<1024xf32> to vector<1x1024xf32>
    %eq3A_144 = vector.broadcast %broadcast_in_dim3A_143 : vector<1x1024xf32> to vector<1024x1024xf32>
    %eq3A_145 = arith.cmpf oeq, %add3A_140, %eq3A_144 : vector<1024x1024xf32>
    %jit3A_146 = arith.constant 8.192000e+03 : f32
    %broadcast_in_dim3A_147 = vector.broadcast %jit3A_146 : f32 to vector<1024x1024xf32>
    %select_n3A_148 = arith.select %eq3A_145, %convert_element_type3A, %broadcast_in_dim3A_147 : vector<1024x1024xi1>, vector<1024x1024xf32>
    %reduce_min3A_149 = arith.constant dense<0x7F800000> : vector<1024xf32>
    %reduce_min3A_150 = vector.multi_reduction <minimumf>, %select_n3A_148, %reduce_min3A_149 [0] : vector<1024x1024xf32> to vector<1024xf32>
    %broadcast_in_dim3A_151 = vector.shape_cast %reduce_min3A_150 : vector<1024xf32> to vector<1x1024xf32>
    %lt3A_152 = arith.cmpf olt, %broadcast_in_dim3A_143, %select_n3A_123 : vector<1x1024xf32>
    %select_n3A_153 = arith.select %lt3A_152, %broadcast_in_dim3A_143, %select_n3A_123 : vector<1x1024xi1>, vector<1x1024xf32>
    %add3A_154 = arith.constant 4.096000e+03 : f32
    %add3A_155 = vector.broadcast %add3A_154 : f32 to vector<1x1024xf32>
    %add3A_156 = arith.addf %broadcast_in_dim3A_151, %add3A_155 : vector<1x1024xf32>
    %select_n3A_157 = arith.select %lt3A_152, %add3A_156, %select_n3A_127 : vector<1x1024xi1>, vector<1x1024xf32>
    %get3A_158 = arith.constant 5120 : index
    %get3A_159 = arith.constant 0 : index
    %get3A_160 = vector.load %arg2[%get3A_158, %get3A_159] : memref<8192x32xf32, #tpu.memory_space<vmem>>, vector<1024x32xf32>
    %mul3A_161 = arith.constant -2.000000e+00 : f32
    %mul3A_162 = vector.broadcast %mul3A_161 : f32 to vector<1024x32xf32>
    %mul3A_163 = arith.mulf %mul3A_162, %get3A_160 : vector<1024x32xf32>
    %slice3A_164 = vector.extract_strided_slice %broadcast_in_dim3A_11 {offsets = [5120, 0], sizes = [1024, 1], strides = [1, 1]} : vector<8192x1xf32> to vector<1024x1xf32>
    %add3A_165 = vector.broadcast %broadcast_in_dim3A : vector<1x1024xf32> to vector<1024x1024xf32>
    %add3A_166 = vector.broadcast %slice3A_164 : vector<1024x1xf32> to vector<1024x1024xf32>
    %add3A_167 = arith.addf %add3A_165, %add3A_166 : vector<1024x1024xf32>
    %dot_general3A_168 = arith.constant dense<0.000000e+00> : vector<1024x1024xf32>
    %dot_general3A_169 = tpu.matmul %mul3A_163, %get3A_3, %dot_general3A_168 {dimension_numbers = #tpu.dot_dimension_numbers<[1], [0], [0], [1], [0, 0, 1, 1], [], []>, transpose_lhs_hint = false} : vector<1024x32xf32>, vector<32x1024xf32>, vector<1024x1024xf32> -> vector<1024x1024xf32>
    %add3A_170 = arith.addf %add3A_167, %dot_general3A_169 : vector<1024x1024xf32>
    %reduce_min3A_171 = arith.constant dense<0x7F800000> : vector<1024xf32>
    %reduce_min3A_172 = vector.multi_reduction <minimumf>, %add3A_170, %reduce_min3A_171 [0] : vector<1024x1024xf32> to vector<1024xf32>
    %broadcast_in_dim3A_173 = vector.shape_cast %reduce_min3A_172 : vector<1024xf32> to vector<1x1024xf32>
    %eq3A_174 = vector.broadcast %broadcast_in_dim3A_173 : vector<1x1024xf32> to vector<1024x1024xf32>
    %eq3A_175 = arith.cmpf oeq, %add3A_170, %eq3A_174 : vector<1024x1024xf32>
    %jit3A_176 = arith.constant 8.192000e+03 : f32
    %broadcast_in_dim3A_177 = vector.broadcast %jit3A_176 : f32 to vector<1024x1024xf32>
    %select_n3A_178 = arith.select %eq3A_175, %convert_element_type3A, %broadcast_in_dim3A_177 : vector<1024x1024xi1>, vector<1024x1024xf32>
    %reduce_min3A_179 = arith.constant dense<0x7F800000> : vector<1024xf32>
    %reduce_min3A_180 = vector.multi_reduction <minimumf>, %select_n3A_178, %reduce_min3A_179 [0] : vector<1024x1024xf32> to vector<1024xf32>
    %broadcast_in_dim3A_181 = vector.shape_cast %reduce_min3A_180 : vector<1024xf32> to vector<1x1024xf32>
    %lt3A_182 = arith.cmpf olt, %broadcast_in_dim3A_173, %select_n3A_153 : vector<1x1024xf32>
    %select_n3A_183 = arith.select %lt3A_182, %broadcast_in_dim3A_173, %select_n3A_153 : vector<1x1024xi1>, vector<1x1024xf32>
    %add3A_184 = arith.constant 5.120000e+03 : f32
    %add3A_185 = vector.broadcast %add3A_184 : f32 to vector<1x1024xf32>
    %add3A_186 = arith.addf %broadcast_in_dim3A_181, %add3A_185 : vector<1x1024xf32>
    %select_n3A_187 = arith.select %lt3A_182, %add3A_186, %select_n3A_157 : vector<1x1024xi1>, vector<1x1024xf32>
    %get3A_188 = arith.constant 6144 : index
    %get3A_189 = arith.constant 0 : index
    %get3A_190 = vector.load %arg2[%get3A_188, %get3A_189] : memref<8192x32xf32, #tpu.memory_space<vmem>>, vector<1024x32xf32>
    %mul3A_191 = arith.constant -2.000000e+00 : f32
    %mul3A_192 = vector.broadcast %mul3A_191 : f32 to vector<1024x32xf32>
    %mul3A_193 = arith.mulf %mul3A_192, %get3A_190 : vector<1024x32xf32>
    %slice3A_194 = vector.extract_strided_slice %broadcast_in_dim3A_11 {offsets = [6144, 0], sizes = [1024, 1], strides = [1, 1]} : vector<8192x1xf32> to vector<1024x1xf32>
    %add3A_195 = vector.broadcast %broadcast_in_dim3A : vector<1x1024xf32> to vector<1024x1024xf32>
    %add3A_196 = vector.broadcast %slice3A_194 : vector<1024x1xf32> to vector<1024x1024xf32>
    %add3A_197 = arith.addf %add3A_195, %add3A_196 : vector<1024x1024xf32>
    %dot_general3A_198 = arith.constant dense<0.000000e+00> : vector<1024x1024xf32>
    %dot_general3A_199 = tpu.matmul %mul3A_193, %get3A_3, %dot_general3A_198 {dimension_numbers = #tpu.dot_dimension_numbers<[1], [0], [0], [1], [0, 0, 1, 1], [], []>, transpose_lhs_hint = false} : vector<1024x32xf32>, vector<32x1024xf32>, vector<1024x1024xf32> -> vector<1024x1024xf32>
    %add3A_200 = arith.addf %add3A_197, %dot_general3A_199 : vector<1024x1024xf32>
    %reduce_min3A_201 = arith.constant dense<0x7F800000> : vector<1024xf32>
    %reduce_min3A_202 = vector.multi_reduction <minimumf>, %add3A_200, %reduce_min3A_201 [0] : vector<1024x1024xf32> to vector<1024xf32>
    %broadcast_in_dim3A_203 = vector.shape_cast %reduce_min3A_202 : vector<1024xf32> to vector<1x1024xf32>
    %eq3A_204 = vector.broadcast %broadcast_in_dim3A_203 : vector<1x1024xf32> to vector<1024x1024xf32>
    %eq3A_205 = arith.cmpf oeq, %add3A_200, %eq3A_204 : vector<1024x1024xf32>
    %jit3A_206 = arith.constant 8.192000e+03 : f32
    %broadcast_in_dim3A_207 = vector.broadcast %jit3A_206 : f32 to vector<1024x1024xf32>
    %select_n3A_208 = arith.select %eq3A_205, %convert_element_type3A, %broadcast_in_dim3A_207 : vector<1024x1024xi1>, vector<1024x1024xf32>
    %reduce_min3A_209 = arith.constant dense<0x7F800000> : vector<1024xf32>
    %reduce_min3A_210 = vector.multi_reduction <minimumf>, %select_n3A_208, %reduce_min3A_209 [0] : vector<1024x1024xf32> to vector<1024xf32>
    %broadcast_in_dim3A_211 = vector.shape_cast %reduce_min3A_210 : vector<1024xf32> to vector<1x1024xf32>
    %lt3A_212 = arith.cmpf olt, %broadcast_in_dim3A_203, %select_n3A_183 : vector<1x1024xf32>
    %select_n3A_213 = arith.select %lt3A_212, %broadcast_in_dim3A_203, %select_n3A_183 : vector<1x1024xi1>, vector<1x1024xf32>
    %add3A_214 = arith.constant 6.144000e+03 : f32
    %add3A_215 = vector.broadcast %add3A_214 : f32 to vector<1x1024xf32>
    %add3A_216 = arith.addf %broadcast_in_dim3A_211, %add3A_215 : vector<1x1024xf32>
    %select_n3A_217 = arith.select %lt3A_212, %add3A_216, %select_n3A_187 : vector<1x1024xi1>, vector<1x1024xf32>
    %get3A_218 = arith.constant 7168 : index
    %get3A_219 = arith.constant 0 : index
    %get3A_220 = vector.load %arg2[%get3A_218, %get3A_219] : memref<8192x32xf32, #tpu.memory_space<vmem>>, vector<1024x32xf32>
    %mul3A_221 = arith.constant -2.000000e+00 : f32
    %mul3A_222 = vector.broadcast %mul3A_221 : f32 to vector<1024x32xf32>
    %mul3A_223 = arith.mulf %mul3A_222, %get3A_220 : vector<1024x32xf32>
    %slice3A_224 = vector.extract_strided_slice %broadcast_in_dim3A_11 {offsets = [7168, 0], sizes = [1024, 1], strides = [1, 1]} : vector<8192x1xf32> to vector<1024x1xf32>
    %add3A_225 = vector.broadcast %broadcast_in_dim3A : vector<1x1024xf32> to vector<1024x1024xf32>
    %add3A_226 = vector.broadcast %slice3A_224 : vector<1024x1xf32> to vector<1024x1024xf32>
    %add3A_227 = arith.addf %add3A_225, %add3A_226 : vector<1024x1024xf32>
    %dot_general3A_228 = arith.constant dense<0.000000e+00> : vector<1024x1024xf32>
    %dot_general3A_229 = tpu.matmul %mul3A_223, %get3A_3, %dot_general3A_228 {dimension_numbers = #tpu.dot_dimension_numbers<[1], [0], [0], [1], [0, 0, 1, 1], [], []>, transpose_lhs_hint = false} : vector<1024x32xf32>, vector<32x1024xf32>, vector<1024x1024xf32> -> vector<1024x1024xf32>
    %add3A_230 = arith.addf %add3A_227, %dot_general3A_229 : vector<1024x1024xf32>
    %reduce_min3A_231 = arith.constant dense<0x7F800000> : vector<1024xf32>
    %reduce_min3A_232 = vector.multi_reduction <minimumf>, %add3A_230, %reduce_min3A_231 [0] : vector<1024x1024xf32> to vector<1024xf32>
    %broadcast_in_dim3A_233 = vector.shape_cast %reduce_min3A_232 : vector<1024xf32> to vector<1x1024xf32>
    %eq3A_234 = vector.broadcast %broadcast_in_dim3A_233 : vector<1x1024xf32> to vector<1024x1024xf32>
    %eq3A_235 = arith.cmpf oeq, %add3A_230, %eq3A_234 : vector<1024x1024xf32>
    %jit3A_236 = arith.constant 8.192000e+03 : f32
    %broadcast_in_dim3A_237 = vector.broadcast %jit3A_236 : f32 to vector<1024x1024xf32>
    %select_n3A_238 = arith.select %eq3A_235, %convert_element_type3A, %broadcast_in_dim3A_237 : vector<1024x1024xi1>, vector<1024x1024xf32>
    %reduce_min3A_239 = arith.constant dense<0x7F800000> : vector<1024xf32>
    %reduce_min3A_240 = vector.multi_reduction <minimumf>, %select_n3A_238, %reduce_min3A_239 [0] : vector<1024x1024xf32> to vector<1024xf32>
    %broadcast_in_dim3A_241 = vector.shape_cast %reduce_min3A_240 : vector<1024xf32> to vector<1x1024xf32>
    %lt3A_242 = arith.cmpf olt, %broadcast_in_dim3A_233, %select_n3A_213 : vector<1x1024xf32>
    %add3A_243 = arith.constant 7.168000e+03 : f32
    %add3A_244 = vector.broadcast %add3A_243 : f32 to vector<1x1024xf32>
    %add3A_245 = arith.addf %broadcast_in_dim3A_241, %add3A_244 : vector<1x1024xf32>
    %select_n3A_246 = arith.select %lt3A_242, %add3A_245, %select_n3A_217 : vector<1x1024xi1>, vector<1x1024xf32>
    %convert_element_type3A_247 = arith.fptosi %select_n3A_246 : vector<1x1024xf32> to vector<1x1024xi32>
    %swap3A = arith.constant 0 : index
    %swap3A_248 = arith.constant 0 : index
    %swap3A_249 = arith.constant 0 : index
    %swap3A_250 = vector.load %arg3[%swap3A, %swap3A_248, %swap3A_249] : memref<1x1x1024xi32, #tpu.memory_space<vmem>>, vector<1x1x1024xi32>
    %swap3A_251 = vector.shape_cast %swap3A_250 : vector<1x1x1024xi32> to vector<1x1024xi32>
    %swap3A_252 = vector.shape_cast %convert_element_type3A_247 : vector<1x1024xi32> to vector<1x1x1024xi32>
    tpu.vector_store %arg3[%swap3A, %swap3A_248, %swap3A_249], %swap3A_252 {strides = array<i32>} : memref<1x1x1024xi32, #tpu.memory_space<vmem>>, vector<1x1x1024xi32>,
    return
  }
  func.func @transform_0(%arg0: i32) -> (i32, i32, i32) {
    %c0_i32 = arith.constant 0 : i32
    %c0_i32_0 = arith.constant 0 : i32
    %c0_i32_1 = arith.constant 0 : i32
    return %arg0, %c0_i32, %c0_i32_0 : i32, i32, i32
  }
  func.func @transform_1(%arg0: i32) -> (i32, i32) {
    %c0_i32 = arith.constant 0 : i32
    %c0_i32_0 = arith.constant 0 : i32
    %c0_i32_1 = arith.constant 0 : i32
    return %c0_i32, %c0_i32_0 : i32, i32
  }
  func.func @transform_2(%arg0: i32) -> (i32, i32, i32) {
    %c0_i32 = arith.constant 0 : i32
    %c0_i32_0 = arith.constant 0 : i32
    %c0_i32_1 = arith.constant 0 : i32
    return %arg0, %c0_i32, %c0_i32_0 : i32, i32, i32
  }
}

module attributes {stable_mosaic.version = 14 : i64} {
  func.func @_epilogue_kernel(%arg0: i32, %arg1: memref<16x1024x32xf32, #tpu.memory_space<vmem>>, %arg2: memref<16x32x1024xf32, #tpu.memory_space<vmem>>, %arg3: memref<16x32x1024xf32, #tpu.memory_space<vmem>>, %arg4: memref<1x1xf32, #tpu.memory_space<vmem>>) attributes {dimension_semantics = [#tpu.dimension_semantics<arbitrary>], iteration_bounds = array<i64: 1>, scalar_prefetch = 0 : i64, scratch_operands = 0 : i64, tpu.core_type = #tpu.core_type<tc>, window_params = [{pipeline_mode = #tpu.pipeline_mode<synchronous>, transform_indices = @transform_0, window_bounds = array<i64: 16, 1024, 32>}, {pipeline_mode = #tpu.pipeline_mode<synchronous>, transform_indices = @transform_1, window_bounds = array<i64: 16, 32, 1024>}, {pipeline_mode = #tpu.pipeline_mode<synchronous>, transform_indices = @transform_2, window_bounds = array<i64: 16, 32, 1024>}, {pipeline_mode = #tpu.pipeline_mode<synchronous>, transform_indices = @transform_3, window_bounds = array<i64: 1, 1>}]} {
    %get3A = arith.constant 0 : index
    %get3A_0 = arith.constant 0 : index
    %get3A_1 = arith.constant 0 : index
    %get3A_2 = vector.load %arg1[%get3A, %get3A_0, %get3A_1] : memref<16x1024x32xf32, #tpu.memory_space<vmem>>, vector<16x1024x32xf32>
    %transpose3A = tpu.transpose %get3A_2, [0, 2, 1] : vector<16x1024x32xf32> -> vector<16x32x1024xf32>
    %get3A_3 = arith.constant 0 : index
    %get3A_4 = arith.constant 0 : index
    %get3A_5 = arith.constant 0 : index
    %get3A_6 = vector.load %arg2[%get3A_3, %get3A_4, %get3A_5] : memref<16x32x1024xf32, #tpu.memory_space<vmem>>, vector<16x32x1024xf32>
    %sub3A = arith.subf %transpose3A, %get3A_6 : vector<16x32x1024xf32>
    %add3A = arith.addf %get3A_6, %sub3A : vector<16x32x1024xf32>
    %swap3A = arith.constant 0 : index
    %swap3A_7 = arith.constant 0 : index
    %swap3A_8 = arith.constant 0 : index
    %swap3A_9 = vector.load %arg3[%swap3A, %swap3A_7, %swap3A_8] : memref<16x32x1024xf32, #tpu.memory_space<vmem>>, vector<16x32x1024xf32>
    tpu.vector_store %arg3[%swap3A, %swap3A_7, %swap3A_8], %add3A {strides = array<i32>} : memref<16x32x1024xf32, #tpu.memory_space<vmem>>, vector<16x32x1024xf32>,
    %mul3A = arith.mulf %sub3A, %sub3A : vector<16x32x1024xf32>
    %reduce_sum3A = vector.shape_cast %mul3A : vector<16x32x1024xf32> to vector<1x16x32x1024xf32>
    %reduce_sum3A_10 = arith.constant dense<0.000000e+00> : vector<1xf32>
    %reduce_sum3A_11 = vector.multi_reduction <add>, %reduce_sum3A, %reduce_sum3A_10 [1, 2, 3] : vector<1x16x32x1024xf32> to vector<1xf32>
    %reduce_sum3A_12 = vector.shape_cast %reduce_sum3A_11 : vector<1xf32> to vector<1x1x1x1xf32>
    %reduce_sum3A_13 = vector.extract %reduce_sum3A_12[0, 0, 0, 0] : f32 from vector<1x1x1x1xf32>
    %broadcast_in_dim3A = vector.broadcast %reduce_sum3A_13 : f32 to vector<1x1xf32>
    %swap3A_14 = arith.constant 0 : index
    %swap3A_15 = arith.constant 0 : index
    %swap3A_16 = vector.load %arg4[%swap3A_14, %swap3A_15] : memref<1x1xf32, #tpu.memory_space<vmem>>, vector<1x1xf32>
    tpu.vector_store %arg4[%swap3A_14, %swap3A_15], %broadcast_in_dim3A {strides = array<i32>} : memref<1x1xf32, #tpu.memory_space<vmem>>, vector<1x1xf32>,
    return
  }
  func.func @transform_0(%arg0: i32) -> (i32, i32, i32) {
    %c0_i32 = arith.constant 0 : i32
    %c0_i32_0 = arith.constant 0 : i32
    %c0_i32_1 = arith.constant 0 : i32
    %c0_i32_2 = arith.constant 0 : i32
    return %c0_i32, %c0_i32_0, %c0_i32_1 : i32, i32, i32
  }
  func.func @transform_1(%arg0: i32) -> (i32, i32, i32) {
    %c0_i32 = arith.constant 0 : i32
    %c0_i32_0 = arith.constant 0 : i32
    %c0_i32_1 = arith.constant 0 : i32
    %c0_i32_2 = arith.constant 0 : i32
    return %c0_i32, %c0_i32_0, %c0_i32_1 : i32, i32, i32
  }
  func.func @transform_2(%arg0: i32) -> (i32, i32, i32) {
    %c0_i32 = arith.constant 0 : i32
    %c0_i32_0 = arith.constant 0 : i32
    %c0_i32_1 = arith.constant 0 : i32
    %c0_i32_2 = arith.constant 0 : i32
    return %c0_i32, %c0_i32_0, %c0_i32_1 : i32, i32, i32
  }
  func.func @transform_3(%arg0: i32) -> (i32, i32) {
    %c0_i32 = arith.constant 0 : i32
    %c0_i32_0 = arith.constant 0 : i32
    %c0_i32_1 = arith.constant 0 : i32
    return %c0_i32, %c0_i32_0 : i32, i32
  }
}

</mosaic_0001>

<sc_bundles>
// kernel: kernel.5.cloned.1.call-start
scs
__scs_entry_jumppad:
0x0: {  	(pc) =	sbr.rel $0x88, $3  }
0x1: {  	(tag) =	ssettag $0x0;
	lr =	simm.s32 $0x1  }
0x2: {  	[smem:$0x3F9F] =	sst lr;
	_ =	strace $0xD0000000  }
0x3: {  	_ = 	snop  }
0x4: {  	_ = 	snop  }
0x5: {  	_ = 	snop  }
0x6: {  	_ = 	snop  }
0x7: {  	_ = 	snop  }
__scs_overlays_trampoline_lowered:
0x8: {  	[smem:$0x3FAE] =	sst s0  }
0x9: {  	[smem:$0x3FAF] =	sst s1  }
0xa: {  	[smem:$0x3FB0] =	sst s2  }
0xb: {  	[smem:$0x3FB1] =	sst s3  }
0xc: {  	[smem:$0x3FB2] =	sst s4  }
0xd: {  	[smem:$0x3FB3] =	sst s5  }
0xe: {  	[smem:$0x3FB4] =	sst s6  }
0xf: {  	[smem:$0x3FB5] =	sst s7  }
0x10: {  	[smem:$0x3FB6] =	sst s8  }
0x11: {  	[smem:$0x3FB7] =	sst s9;
	s0 =	simm.s32 @!p0 $0x0  }
0x12: {  	s1 =	sld [smem:$0x3F9D];
	s0 =	simm.s32 @p0 $0x1  }
0x13: {  	[smem:$0x3FB8] =	sst s0;
	s0 =	simm.s32 @!p1 $0x0  }
0x14: {  	s2 =	sld [smem:$0x3F9C];
	s0 =	simm.s32 @p1 $0x1  }
0x15: {  	[smem:$0x3FB9] =	sst s0;
	s0 =	simm.s32 @!p2 $0x0  }
0x16: {  	s3 =	sld [smem:$0x3FDB];
	s0 =	simm.s32 @p2 $0x1  }
0x17: {  	s4 =	simm.s32 $0x1BF5;
	[smem:$0x3FBB] =	sst s0  }
0x18: {  	s0 =	sld [smem:$0x3F9E];
	_ =	swait.ge [sflag:s4], $0x0  }
0x19: {  	s7 =	sld [smem:$0x3F9F]  }
0x1a: {  	s8 =	sadd.s32 $0xFFFFE003, lr  }
0x1b: {  	s9 =	sadd.s32 $0xFFFFFEF7, lr;
	s5 =	simm.s32 $0xFFFFFFFF;
	p2 =	slt.u32 s8, $0xFFFFF086  }
0x1c: {  	p1 =	slt.u32 s9, $0xF7A;
	s5 =	simm.s32 @!p2 $0x0  }
0x1d: {  	s5 =	simm.s32 @p1 $0x1;
	p0 =	seq.s32 s7, s2  }
0x1e: {  	s7 =	smul.u32 @!p0 $0xF7A, s2;
	p2 =	seq.s32 @!p0 s5, $0x0  }
0x1f: {  	s9 =	smul.u32 $0xF7A, s1;
	s8 =	simm.s32 @!p0 $0x1BF5;
	p2 =	por !p2, p0  }
0x20: {  	[sflag:s8] =	ssyncset.s32 @!p0 $0xFFFFF086;
	s6 =	sadd.s32 @!p0 s3, s7;
	s7 =	simm.s32 @!p0 $0x108  }
0x21: {  	s3 =	sadd.s32 s3, s9;
	s6 =	sadd.s32 @!p0 $0x88, s6;
	s7 =	simm.s32 @p2 $0x1082  }
0x22: {  	[simem:s7], [sflag:s8] =	dma.local @!p0 [hbm:s6], $0xF7A  }
0x23: {  	s9 =	sor.u32 $0xD0000000, s2;
	s6 =	simm.s32 $0x108;
	_ =	swait.ge @!p0 [sflag:s8], $0x0  }
0x24: {  	s3 =	sadd.s32 $0x88, s3;
	s6 =	simm.s32 @!p1 $0x1082;
	[sflag:s4] =	ssyncset.s32 $0xFFFFF086  }
0x25: {  	[simem:s6], [sflag:s4] =	dma.local [hbm:s3], $0xF7A  }
0x26: {  	[smem:$0x3F9F] =	sst s1;
	(tag) =	ssettag s2;
	_ =	strace s9  }
0x27: {  	s1 =	sld [smem:$0x3FAF]  }
0x28: {  	s2 =	sld [smem:$0x3FB0]  }
0x29: {  	s4 =	sld [smem:$0x3FB2]  }
0x2a: {  	p0 =	seq.s32 s5, $0x0;
	s5 =	sld [smem:$0x3FB3]  }
0x2b: {  	s6 =	sld [smem:$0x3FB4]  }
0x2c: {  	s7 =	sld [smem:$0x3FB5]  }
0x2d: {  	s3 =	simm.s32 $0x108;
	s8 =	sld [smem:$0x3FB6]  }
0x2e: {  	s3 =	simm.s32 @!p0 $0x1082;
	s9 =	sld [smem:$0x3FB7]  }
0x2f: {  	lr =	sadd.s32 s0, s3;
	s0 =	sld [smem:$0x3FAE]  }
0x30: {  	s3 =	sld [smem:$0x3FB1]  }
0x31: {  	[smem:$0x3FBA] =	sst s10  }
0x32: {  	s10 =	sld [smem:$0x3FB8];
	_ =	sdelay $0x3  }
0x33: {  	p0 =	seq.s32 s10, $0x1;
	s10 =	sld [smem:$0x3FBA];
	_ =	sdelay $0x3  }
0x34: {  	[smem:$0x3FBA] =	sst s10  }
0x35: {  	s10 =	sld [smem:$0x3FB9];
	_ =	sdelay $0x3  }
0x36: {  	p1 =	seq.s32 s10, $0x1;
	s10 =	sld [smem:$0x3FBA];
	_ =	sdelay $0x3  }
0x37: {  	[smem:$0x3FBA] =	sst s10  }
0x38: {  	s10 =	sld [smem:$0x3FBB]  }
0x39: {  	_ = 	snop;
	(pc) =	sbr.ind lr, $3  }
0x3a: {  	_ = 	snop  }
0x3b: {  	_ = 	snop  }
0x3c: {  	p2 =	seq.s32 s10, $0x1;
	s10 =	sld [smem:$0x3FBA]  }
0x3d: {  	_ =	shalt  }
0x3e: {  	_ =	shalt  }
0x3f: {  	_ =	shalt  }
0x40: {  	_ =	shalt  }
0x41: {  	_ =	shalt  }
0x42: {  	_ =	shalt  }
0x43: {  	_ =	shalt  }
0x44: {  	_ =	shalt  }
0x45: {  	_ =	shalt  }
0x46: {  	_ =	shalt  }
0x47: {  	_ =	shalt  }
0x48: {  	_ =	shalt  }
0x49: {  	_ =	shalt  }
0x4a: {  	_ =	shalt  }
0x4b: {  	_ =	shalt  }
0x4c: {  	_ =	shalt  }
0x4d: {  	_ =	shalt  }
0x4e: {  	_ =	shalt  }
0x4f: {  	_ =	shalt  }
0x50: {  	_ =	shalt  }
0x51: {  	_ =	shalt  }
0x52: {  	_ =	shalt  }
0x53: {  	_ =	shalt  }
0x54: {  	_ =	shalt  }
0x55: {  	_ =	shalt  }
0x56: {  	_ =	shalt  }
0x57: {  	_ =	shalt  }
0x58: {  	_ =	shalt  }
0x59: {  	_ =	shalt  }
0x5a: {  	_ =	shalt  }
0x5b: {  	_ =	shalt  }
0x5c: {  	_ =	shalt  }
0x5d: {  	_ =	shalt  }
0x5e: {  	_ =	shalt  }
0x5f: {  	_ =	shalt  }
0x60: {  	_ =	shalt  }
0x61: {  	_ =	shalt  }
0x62: {  	_ =	shalt  }
0x63: {  	_ =	shalt  }
0x64: {  	_ =	shalt  }
0x65: {  	_ =	shalt  }
0x66: {  	_ =	shalt  }
0x67: {  	_ =	shalt  }
0x68: {  	_ =	shalt  }
0x69: {  	_ =	shalt  }
0x6a: {  	_ =	shalt  }
0x6b: {  	_ =	shalt  }
0x6c: {  	_ =	shalt  }
0x6d: {  	_ =	shalt  }
0x6e: {  	_ =	shalt  }
0x6f: {  	_ =	shalt  }
0x70: {  	_ =	shalt  }
0x71: {  	_ =	shalt  }
0x72: {  	_ =	shalt  }
0x73: {  	_ =	shalt  }
0x74: {  	_ =	shalt  }
0x75: {  	_ =	shalt  }
0x76: {  	_ =	shalt  }
0x77: {  	_ =	shalt  }
0x78: {  	_ =	shalt  }
0x79: {  	_ =	shalt  }
0x7a: {  	_ =	shalt  }
0x7b: {  	_ =	shalt  }
0x7c: {  	_ =	shalt  }
0x7d: {  	_ =	shalt  }
0x7e: {  	_ =	shalt  }
0x7f: {  	_ =	shalt  }
0x80: {  	_ =	shalt  }
0x81: {  	_ =	shalt  }
0x82: {  	_ =	shalt  }
0x83: {  	_ =	shalt  }
0x84: {  	_ =	shalt  }
0x85: {  	_ =	shalt  }
0x86: {  	_ =	shalt  }
0x87: {  	_ =	shalt  }
.Lfunc_end0:
.L_simem_size_0:
called_computation_lowered:
.L_overlay_start_0:
0x88: {  	s2 =	sld [smem:$0x3FD9]  }
0x89: {  	s3 =	sld [smem:$0x3FFE];
	_ =	sdelay $0x1  }
0x8a: {  	s1 =	srdreg.scid  }
0x8b: {  	s0 =	sand.u32 $0x1, s1  }
0x8c: {  	s14 =	sshll.u32 s0, $0xA;
	s2 =	sadd.s32 s3, s2  }
0x8d: {  	s2 =	sadd.s32 s2, s14  }
0x8e: {  	[smem:$0x3FC6] =	sst s2  }
0x8f: {  	_ = 	snop  }
0x90: {  	s2 =	sld [smem:$0x3FD0];
	_ =	sdelay $0x2  }
0x91: {  	s15 =	simm.s32 $0xA;
	s4 =	simm.s32 $0x10  }
0x92: {  	[smem:s4], [sflag:s15] =	dma.local [hbm:s2], $0x1  }
0x93: {  	_ =	swait.eq [sflag:s15], $0x1  }
0x94: {  	[sflag:s15] =	ssyncset.done $0x0  }
0x95: {  	[sflag:s15] =	ssyncadd.s32 $0xFFFFFFFF  }
0x96: {  	s16 =	sld [smem:$0x11];
	(tm) =	ssettm $0x1  }
0x97: {  	s17 =	sld [smem:$0x3FFB];
	_ =	sdelay $0x3  }
0x98: {  	_ =	strace s17  }
0x99: {  	s3 =	sld [smem:$0x3FFC];
	_ =	sdelay $0x3  }
0x9a: {  	_ =	strace s3  }
0x9b: {  	s3 =	sld [smem:$0x3FFD];
	_ =	sdelay $0x3  }
0x9c: {  	_ =	strace s3  }
0x9d: {  	_ =	strace $0x8FFFFFFF  }
0x9e: {  	s18 =	sld [smem:$0x3FDB];
	_ =	sdelay $0x1  }
0x9f: {  	s19 =	simm.s32 $_scs_section_size  }
0xa0: {  	s5 =	simm.s32 $_size__tile_overlayer_lowered;
	s6 =	simm.s32 $_tile_overlayer_lowered  }
0xa1: {  	s22 =	simm.s32 $0x1BFF;
	s21 =	sshll.u32 s6, $0x1;
	s3 =	sadd.s32 s19, s18  }
0xa2: {  	s7 =	simm.s32 $0x0;
	s20 =	sshll.u32 s5, $0x1;
	s5 =	sadd.s32 s21, s3  }
0xa3: {  	[timem:s7], [sflag:s22] =	dma.local [hbm:s5], s20  }
0xa4: {  	_ =	swait.ge [sflag:s22], s20  }
0xa5: {  	s4 =	ssub.s32 $0x0, s20;
	[sflag:s22] =	ssyncset.done $0x0  }
0xa6: {  	[sflag:s22] =	ssyncadd.s32 s4;
	_ =	sdelay $0x1  }
0xa7: {  	s23 =	simm.s32 $0x1B8B  }
0xa8: {  	_ =	swait.ge [sflag:s23], $0x1  }
0xa9: {  	[sflag:s23] =	ssyncset.done $0x0  }
0xaa: {  	s25 =	simm.s32 $0x1B8E;
	s24 =	sld [smem:$0x3FFE];
	[sflag:s23] =	ssyncadd.s32 $0xFFFFFFFF  }
0xab: {  	s26 =	simm.s32 $execute0_lowered;
	[smem:$0x3FD2] =	sst s25  }
0xac: {  	s5 =	sshll.u32 s26, $0x1;
	_ =	strace $0x80000046;
	[dreg:$0x1] =	wrdreg $0xFFFFFFFF  }
0xad: {  	s28 =	simm.s32 $_size_execute0_lowered;
	s3 =	sadd.s32 s3, s5;
	[dreg:$0x0] =	wrdreg $0x0  }
0xae: {  	s5 =	sshll.u32 s28, $0x1;
	[dreg:$0x2] =	wrdreg s3  }
0xaf: {  	[dreg:$0x3] =	wrdreg s5  }
0xb0: {  	[dreg:$0x4] =	wrdreg $0xC0  }
0xb1: {  	_ =	task [dreg:s7], $0x5FFFF  }
0xb2: {  	[dreg:$0x1] =	wrdreg $0xFFFFFFFF  }
0xb3: {  	[dreg:$0x0] =	wrdreg $0x60  }
0xb4: {  	[dreg:$0x2] =	wrdreg s24  }
0xb5: {  	[dreg:$0x3] =	wrdreg s16  }
0xb6: {  	[dreg:$0x4] =	wrdreg $0x9  }
0xb7: {  	_ =	task.clear_ibuf [dreg:s7], $0x5FFFF;
	_ =	strace $0x90000046  }
0xb8: {  	s29 =	simm.s32 $0x9;
	_ =	strace $0x80000048  }
0xb9: {  	_ =	swait.ge [sflag:s29], $0x1  }
0xba: {  	[sflag:s29] =	ssyncadd.s32 $0xFFFFFFFF  }
0xbb: {  	_ =	strace $0x90000048  }
0xbc: {  	_ =	sfence  }
0xbd: {  	s30 =	sld [smem:$0x0];
	_ =	sdelay $0x2  }
0xbe: {  	s31 =	sshll.u32 s1, $0xD;
	s1 =	sshrl.u32 s1, $0x2  }
0xbf: {  	s3 =	sand.u32 $0x4000, s31;
	s1 =	sadd.s32 s1, s30  }
0xc0: {  	s0 =	sor.u32 s3, s0;
	s1 =	sshll.u32 s1, $0x11  }
0xc1: {  	s0 =	sor.u32 s1, s0  }
0xc2: {  	s0 =	sadd.s32 $0x8F2B, s0  }
0xc3: {  	[sflag:s0] =	ssyncadd.remote.s32 $0x1  }
0xc4: {  	_ =	sfence.sel $0xFFFF  }
0xc5: {  	[dreg:$0x0] =	wrdreg $0xFFFFFFFF;
	(pc) =	sbr.abs _section_cstart, $3  }
0xc6: {  	[dreg:$0x1] =	wrdreg $0xFFFFFFFF  }
0xc7: {  	_ =	task.clear_ibuf [dreg:s7], $0x2FFFF;
	_ =	strace $0x9FFFFFFF  }
0xc8: {  	(tm) =	ssettm $0x7FFFFFFF  }
0xc9: {  	_ =	shalt  }
tec
execute0_lowered:
.L_overlay_start_1:
0x0: {  	(tag) =	ssettag $0x1  }
0x1: {  	s1 =	srdreg.scid  }
0x2: {  	s0 =	stileid.u32;
	s6 =	sand.u32 $0x1, s1  }
0x3: {  	s5 =	rddreg [dreg:$0x0];
	s30 =	sshll.u32 s0, $0xA;
	s2 =	sshll.u32 s6, $0x9  }
0x4: {  	s8 =	rddreg [dreg:$0x1];
	s9 =	sor.u32 s2, s30  }
0x5: {  	s1 =	rddreg [dreg:$0x2];
	s2 =	simm.s32 $0x0;
	s3 =	sshrl.u32 s9, $0x3  }
0x6: {  	s10 =	ssub.s32 $0x2, s6;
	[smem:$0x7FF] =	sst s2;
	s3 =	sadd.s32 s3, s5  }
0x7: {  	_ =	strace $0x80000047;
	s4 =	sadd.s32 $0x8C00, s3;
	s3 =	simm.s32 $0x2  }
0x8: {  	[tilespmem:s2], [sflag:$0x2] =	stream.linear.gather [hbm4b:s4+s2], $0x200, $0x38;
	[tilespmem:$0x4200] =	vst v63  }
0x9: {  	s7 =	simm.s32 $0x1;
	s11 =	sshrl.u32 s10, $0x1;
	_ =	swait.ge [sflag:s3], $0x200  }
0xa: {  	s6 =	simm.s32 $0x200;
	s10 =	ssub.s32 s10, s11;
	[sflag:s3] =	ssyncset.done $0x0  }
0xb: {  	s5 =	sadd.s32 $0xC00, s5;
	s31 =	smax.u32 s10, $0x1;
	[sflag:s3] =	ssyncadd.s32 $0xFFFFFE00  }
0xc: {  	[tilespmem:s6], [sflag:$0x1] =	stream.indirect.gather [hbm4b:s5+s6], $0x20, s2, s6, $0xb8;
	[tilespmem:$0x4200] =	vst v63  }
0xd: {  	p0 =	sne.s32 s31, $0x1;
	_ =	swait.ge [sflag:s7], $0x4000  }
.Ltmp0:
0xe: {  	s9 =	sshll.u32 s9, $0x2;
	[sflag:s7] =	ssyncset.done $0x0;
	(pc) =	sbr.rel @!p0 .LBB2_2-.Ltmp0, $4  }
0xf: {  	s8 =	sadd.s32 s8, s9;
	[sflag:s7] =	ssyncadd.s32 $0xFFFFC000  }
0x10: {  	[hbm4b:s8+s2] =	stream.linear.scatter [tilespmem:s6], [sflag:$0x2], $0x4000, $0x38;
	[tilespmem:$0x4200] =	vst v63  }
0x11: {  	_ =	swait.ge [sflag:s3], $0x4000  }
0x12: {  	s9 =	sadd.s32 $0xFFFFFFFF, s31;
	[sflag:s3] =	ssyncset.done $0x0  }
.LBB2_1:
0x13: {  	p0 =	sne.s32 s9, $0x1;
	s9 =	sadd.s32 $0xFFFFFFFF, s9;
	[sflag:s3] =	ssyncadd.s32 $0xFFFFC000  }
0x14: {  	[tilespmem:s2], [sflag:$0x2] =	stream.linear.gather [hbm4b:s4+s2], $0x200, $0x38;
	[tilespmem:$0x4200] =	vst v63  }
0x15: {  	_ =	swait.ge [sflag:s3], $0x200  }
0x16: {  	[sflag:s3] =	ssyncset.done $0x0  }
0x17: {  	[sflag:s3] =	ssyncadd.s32 $0xFFFFFE00  }
0x18: {  	[tilespmem:s6], [sflag:$0x1] =	stream.indirect.gather [hbm4b:s5+s6], $0x20, s2, s6, $0xb8;
	[tilespmem:$0x4200] =	vst v63  }
0x19: {  	_ =	swait.ge [sflag:s7], $0x4000  }
.Ltmp1:
0x1a: {  	[sflag:s7] =	ssyncset.done $0x0;
	(pc) =	sbr.rel @p0 .LBB2_1-.Ltmp1, $4  }
0x1b: {  	[sflag:s7] =	ssyncadd.s32 $0xFFFFC000  }
0x1c: {  	[hbm4b:s8+s2] =	stream.linear.scatter [tilespmem:s6], [sflag:$0x2], $0x4000, $0x38;
	[tilespmem:$0x4200] =	vst v63  }
0x1d: {  	_ =	swait.ge [sflag:s3], $0x4000  }
0x1e: {  	[sflag:s3] =	ssyncset.done $0x0  }
.LBB2_2:
0x1f: {  	[sflag:s3] =	ssyncadd.s32 $0xFFFFC000  }
0x20: {  	_ =	sfence.sel $0x180000  }
0x21: {  	[bflag:$0x0] =	sbarrier.arrive $0xFFFF  }
0x22: {  	p0 =	sne.s32 s0, $0x0;
	_ =	strace $0x90000047  }
0x23: {  	s0 =	sadd.s32 @!p0 $0x100000, s1;
	[bflag:$0x2] =	sbarrier.arrive $0xFFFF  }
0x24: {  	[sflag:s0] =	ssyncadd.tile.s32 @!p0 $0x1;
	_ =	shalt  }
.Lfunc_end2:
_tile_overlayer_lowered:
.L_overlay_start_2:
0x25: {  	(tag) =	ssettag $0x2  }
0x26: {  	s0 =	rddreg [dreg:$0x0];
	s2 =	stileid.u32  }
0x27: {  	s1 =	rddreg [dreg:$0x1];
	p0 =	sne.s32 s2, $0x0  }
0x28: {  	s3 =	rddreg [dreg:$0x2];
	[bflag:$0x3] =	sbarrier.arrive $0xFFFF;
	s2 =	simm.s32 @!p0 $0x1C02  }
0x29: {  	[timem:s3], [sflag:s2] =	dma.local @!p0 [hbm:s0], s1  }
0x2a: {  	s0 =	simm.s32 @!p0 $0x2  }
0x2b: {  	_ =	swait.ge @!p0 [sflag:s0], s1  }
0x2c: {  	s1 =	ssub.s32 @!p0 $0x0, s1;
	[sflag:s0] =	ssyncset.done @!p0 $0x0  }
0x2d: {  	[sflag:s0] =	ssyncadd.s32 @!p0 s1  }
0x2e: {  	[bflag:$0x3] =	sbarrier.arrive $0xFFFF  }
0x2f: {  	_ =	shalt  }

</sc_bundles>
